<compile_context>
chip_gen: v7x
topology: tpu7x:2x2x1
jax: 0.10.2.dev20260603
libtpu: 0.0.44.dev20260713+nightly
codegen_flags: <defaults>
</compile_context>

<pallas_src>
import functools

import jax
import jax.numpy as jnp
from jax import lax
from jax.experimental import pallas as pl
from jax.experimental.pallas import tpu as pltpu
from jax.experimental.pallas import tpu_sc as plsc

VOCAB = 1000000
EMBED = 128
BATCH = 4096

_NC = 2
_NS = 16
_NW = _NC * _NS
_BPW = BATCH // _NW
_NCH = 2
_CH = _BPW // _NCH

_mesh = plsc.VectorSubcoreMesh(
    core_axis_name="c", subcore_axis_name="s", num_cores=_NC, num_subcores=_NS
)


@functools.partial(
    pl.kernel,
    out_type=(
        jax.ShapeDtypeStruct((BATCH, EMBED), jnp.float32),
        jax.ShapeDtypeStruct((BATCH, EMBED), jnp.float32),
    ),
    mesh=_mesh,
    scratch_types=[
        pltpu.VMEM((_BPW,), jnp.int32),
        pltpu.VMEM((_BPW,), jnp.int32),
        pltpu.VMEM((_BPW, EMBED), jnp.float32),
        pltpu.VMEM((_BPW, EMBED), jnp.float32),
        pltpu.SemaphoreType.DMA,
        pltpu.SemaphoreType.DMA,
    ] + [pltpu.SemaphoreType.DMA] * (2 * _NCH),
)
def _sc_gather(target_hbm, context_hbm, in_tab_hbm, out_tab_hbm,
               in_emb_hbm, out_emb_hbm,
               tgt_idx_v, ctx_idx_v, in_rows_v, out_rows_v,
               sem_ia, sem_ib, *sems):
    wid = lax.axis_index("s") * _NC + lax.axis_index("c")
    base = wid * _BPW
    ia = pltpu.async_copy(target_hbm.at[pl.ds(base, _BPW)], tgt_idx_v, sem_ia)
    ib = pltpu.async_copy(context_hbm.at[pl.ds(base, _BPW)], ctx_idx_v, sem_ib)
    work = []
    ia.wait()
    for c in range(_NCH):
        g = pltpu.async_copy(
            in_tab_hbm.at[tgt_idx_v.at[pl.ds(c * _CH, _CH)]],
            in_rows_v.at[pl.ds(c * _CH, _CH)], sems[c])
        work.append((g, in_rows_v.at[pl.ds(c * _CH, _CH)],
                     in_emb_hbm.at[pl.ds(base + c * _CH, _CH)], sems[c]))
    ib.wait()
    for c in range(_NCH):
        g = pltpu.async_copy(
            out_tab_hbm.at[ctx_idx_v.at[pl.ds(c * _CH, _CH)]],
            out_rows_v.at[pl.ds(c * _CH, _CH)], sems[_NCH + c])
        work.append((g, out_rows_v.at[pl.ds(c * _CH, _CH)],
                     out_emb_hbm.at[pl.ds(base + c * _CH, _CH)], sems[_NCH + c]))
    writes = []
    for g, rows, dst, sem in work:
        g.wait()
        writes.append(pltpu.async_copy(rows, dst, sem))
    for w in writes:
        w.wait()


_BM = 512


def _mm_body(a_ref, b_ref, o_ref):
    o_ref[...] = lax.dot_general(
        a_ref[...].astype(jnp.bfloat16), b_ref[...].astype(jnp.bfloat16),
        dimension_numbers=(((1,), (1,)), ((), ())),
        preferred_element_type=jnp.float32,
    )


_matmul = pl.pallas_call(
    _mm_body,
    grid=(BATCH // _BM,),
    in_specs=[
        pl.BlockSpec((_BM, EMBED), lambda i: (i, 0)),
        pl.BlockSpec((BATCH, EMBED), lambda i: (0, 0)),
    ],
    out_specs=pl.BlockSpec((_BM, BATCH), lambda i: (i, 0)),
    out_shape=jax.ShapeDtypeStruct((BATCH, BATCH), jnp.float32),
)


def kernel(target, context, in_table, out_table):
    target = target.astype(jnp.int32)
    context = context.astype(jnp.int32)
    in_embeds, out_embeds = _sc_gather(target, context, in_table, out_table)
    return _matmul(in_embeds, out_embeds)

# --- scband reference (transcript-rebuilt; emitter-appended) ---
"""Pipeline reference for scband-skip-gram-model-37434934952325 (READ-ONLY COPY).

The authoritative reference and input builder live on the scoring server;
editing this copy changes nothing except your own understanding.
"""

import jax, jax.numpy as jnp
import numpy as np

VOCAB = 1000000
EMBED = 128
BATCH = 4096

def setup_inputs(seed: int = 0) -> dict:
    key = jax.random.key(seed)
    k1, k2, k3, k4 = jax.random.split(key, 4)
    target = jax.random.randint(k1, (BATCH,), 0, VOCAB, dtype=jnp.int64) if jax.config.jax_enable_x64 else jax.random.randint(k1, (BATCH,), 0, VOCAB).astype(jnp.int32)
    context = jax.random.randint(k2, (BATCH,), 0, VOCAB).astype(target.dtype)
    # learned parameters: two embedding tables (nn.Embedding default init ~ N(0,1))
    in_table = jax.random.normal(k3, (VOCAB, EMBED), dtype=jnp.float32)
    out_table = jax.random.normal(k4, (VOCAB, EMBED), dtype=jnp.float32)
    return {"target": target, "context": context, "in_table": in_table, "out_table": out_table}

def reference(target, context, in_table, out_table):
    # in_embeds = self.in_embeddings(target)
    in_embeds = jnp.take(in_table, target, axis=0)      # [B, D] gather
    # out_embeds = self.out_embeddings(context)
    out_embeds = jnp.take(out_table, context, axis=0)   # [C, D] gather
    # scores = torch.matmul(in_embeds, out_embeds.t())
    scores = jnp.matmul(in_embeds, out_embeds.T)         # [B, C]
    return scores

if __name__ == "__main__":
    import jax
    _d = setup_inputs()
    print(jax.jit(kernel)(*tuple(_d.values())))

</pallas_src>

<mosaic_0001>
#map = affine_map<(d0, d1) -> (0)>
#map1 = affine_map<(d0, d1) -> (0, 0)>
module attributes {stable_mosaic.version = 14 : i64} {
  func.func @_sc_gather(%arg0: i32, %arg1: i32, %arg2: memref<4096xi32, #tpu.memory_space<hbm>>, %arg3: memref<4096xi32, #tpu.memory_space<hbm>>, %arg4: memref<1000000x128xf32, #tpu.memory_space<hbm>>, %arg5: memref<1000000x128xf32, #tpu.memory_space<hbm>>, %arg6: memref<4096x128xf32, #tpu.memory_space<hbm>>, %arg7: memref<4096x128xf32, #tpu.memory_space<hbm>>, %arg8: memref<128xi32, #tpu.memory_space<vmem>>, %arg9: memref<128xi32, #tpu.memory_space<vmem>>, %arg10: memref<128x128xf32, #tpu.memory_space<vmem>>, %arg11: memref<128x128xf32, #tpu.memory_space<vmem>>, %arg12: memref<!tpu.dma_semaphore, #tpu.memory_space<semaphore_mem>>, %arg13: memref<!tpu.dma_semaphore, #tpu.memory_space<semaphore_mem>>, %arg14: memref<!tpu.dma_semaphore, #tpu.memory_space<semaphore_mem>>, %arg15: memref<!tpu.dma_semaphore, #tpu.memory_space<semaphore_mem>>, %arg16: memref<!tpu.dma_semaphore, #tpu.memory_space<semaphore_mem>>, %arg17: memref<!tpu.dma_semaphore, #tpu.memory_space<semaphore_mem>>) attributes {dimension_semantics = [#tpu.dimension_semantics<core_parallel>, #tpu.dimension_semantics<subcore_parallel>], iteration_bounds = array<i64: 2, 16>, scalar_prefetch = 0 : i64, scratch_operands = 10 : i64, tpu.core_type = #tpu.core_type<sc_vector_subcore>, window_params = [{transform_indices = #map}, {transform_indices = #map}, {transform_indices = #map1}, {transform_indices = #map1}, {transform_indices = #map1}, {transform_indices = #map1}]} {
    %mul3A = arith.constant 2 : i32
    %mul3A_0 = arith.muli %arg1, %mul3A : i32
    %add3A = arith.addi %mul3A_0, %arg0 : i32
    %mul3A_1 = arith.constant 128 : i32
    %mul3A_2 = arith.muli %add3A, %mul3A_1 : i32
    %dma_start3A = tpu.memref_slice %arg2[%mul3A_2] : memref<4096xi32, #tpu.memory_space<hbm>> -> memref<128xi32, #tpu.memory_space<hbm>>
    %dma_start3A_3 = tpu.memref_slice %arg2[%mul3A_2] : memref<4096xi32, #tpu.memory_space<hbm>> -> memref<128xi32, #tpu.memory_space<hbm>>
    tpu.enqueue_dma source(%dma_start3A_3 : memref<128xi32, #tpu.memory_space<hbm>>) target(%arg8 : memref<128xi32, #tpu.memory_space<vmem>>) target_semaphore(%arg12 : memref<!tpu.dma_semaphore, #tpu.memory_space<semaphore_mem>>)
    %dma_start3A_4 = tpu.memref_slice %arg3[%mul3A_2] : memref<4096xi32, #tpu.memory_space<hbm>> -> memref<128xi32, #tpu.memory_space<hbm>>
    %dma_start3A_5 = tpu.memref_slice %arg3[%mul3A_2] : memref<4096xi32, #tpu.memory_space<hbm>> -> memref<128xi32, #tpu.memory_space<hbm>>
    tpu.enqueue_dma source(%dma_start3A_5 : memref<128xi32, #tpu.memory_space<hbm>>) target(%arg9 : memref<128xi32, #tpu.memory_space<vmem>>) target_semaphore(%arg13 : memref<!tpu.dma_semaphore, #tpu.memory_space<semaphore_mem>>)
    %dma_wait3A = tpu.memref_slice %arg2[%mul3A_2] : memref<4096xi32, #tpu.memory_space<hbm>> -> memref<128xi32, #tpu.memory_space<hbm>>
    %dma_wait3A_6 = tpu.memref_slice %arg2[%mul3A_2] : memref<4096xi32, #tpu.memory_space<hbm>> -> memref<128xi32, #tpu.memory_space<hbm>>
    tpu.wait_dma2 semaphore(%arg12 : memref<!tpu.dma_semaphore, #tpu.memory_space<semaphore_mem>>) src(%dma_wait3A_6 : memref<128xi32, #tpu.memory_space<hbm>>) dst(%arg8 : memref<128xi32, #tpu.memory_space<vmem>>)
    %dma_start3A_7 = arith.constant 0 : i32
    %dma_start3A_8 = arith.constant 0 : i32
    %dma_start3A_9 = tpu.memref_slice %arg10[%dma_start3A_7, %dma_start3A_8] : memref<128x128xf32, #tpu.memory_space<vmem>> -> memref<64x128xf32, #tpu.memory_space<vmem>>
    %dma_start3A_10 = arith.constant 0 : i32
    %dma_start3A_11 = tpu.memref_slice %arg8[%dma_start3A_10] : memref<128xi32, #tpu.memory_space<vmem>> -> memref<64xi32, #tpu.memory_space<vmem>>
    %dma_start3A_12 = arith.constant 0 : i32
    %dma_start3A_13 = arith.constant 0 : i32
    %dma_start3A_14 = tpu.memref_slice %arg4[%dma_start3A_12, %dma_start3A_13] : memref<1000000x128xf32, #tpu.memory_space<hbm>> -> memref<1000000x128xf32, #tpu.memory_space<hbm>>
    tpu.enqueue_indirect_dma source(%dma_start3A_14 : memref<1000000x128xf32, #tpu.memory_space<hbm>>) target(%dma_start3A_9 : memref<64x128xf32, #tpu.memory_space<vmem>>) offsets(%dma_start3A_11 : memref<64xi32, #tpu.memory_space<vmem>>) semaphore(%arg14 : memref<!tpu.dma_semaphore, #tpu.memory_space<semaphore_mem>>)
    %add3A_15 = arith.constant 0 : i32
    %add3A_16 = arith.addi %mul3A_2, %add3A_15 : i32
    %dma_start3A_17 = arith.constant 64 : i32
    %dma_start3A_18 = arith.constant 0 : i32
    %dma_start3A_19 = tpu.memref_slice %arg10[%dma_start3A_17, %dma_start3A_18] : memref<128x128xf32, #tpu.memory_space<vmem>> -> memref<64x128xf32, #tpu.memory_space<vmem>>
    %dma_start3A_20 = arith.constant 64 : i32
    %dma_start3A_21 = tpu.memref_slice %arg8[%dma_start3A_20] : memref<128xi32, #tpu.memory_space<vmem>> -> memref<64xi32, #tpu.memory_space<vmem>>
    %dma_start3A_22 = arith.constant 0 : i32
    %dma_start3A_23 = arith.constant 0 : i32
    %dma_start3A_24 = tpu.memref_slice %arg4[%dma_start3A_22, %dma_start3A_23] : memref<1000000x128xf32, #tpu.memory_space<hbm>> -> memref<1000000x128xf32, #tpu.memory_space<hbm>>
    tpu.enqueue_indirect_dma source(%dma_start3A_24 : memref<1000000x128xf32, #tpu.memory_space<hbm>>) target(%dma_start3A_19 : memref<64x128xf32, #tpu.memory_space<vmem>>) offsets(%dma_start3A_21 : memref<64xi32, #tpu.memory_space<vmem>>) semaphore(%arg15 : memref<!tpu.dma_semaphore, #tpu.memory_space<semaphore_mem>>)
    %add3A_25 = arith.constant 64 : i32
    %add3A_26 = arith.addi %mul3A_2, %add3A_25 : i32
    %dma_wait3A_27 = tpu.memref_slice %arg3[%mul3A_2] : memref<4096xi32, #tpu.memory_space<hbm>> -> memref<128xi32, #tpu.memory_space<hbm>>
    %dma_wait3A_28 = tpu.memref_slice %arg3[%mul3A_2] : memref<4096xi32, #tpu.memory_space<hbm>> -> memref<128xi32, #tpu.memory_space<hbm>>
    tpu.wait_dma2 semaphore(%arg13 : memref<!tpu.dma_semaphore, #tpu.memory_space<semaphore_mem>>) src(%dma_wait3A_28 : memref<128xi32, #tpu.memory_space<hbm>>) dst(%arg9 : memref<128xi32, #tpu.memory_space<vmem>>)
    %dma_start3A_29 = arith.constant 0 : i32
    %dma_start3A_30 = arith.constant 0 : i32
    %dma_start3A_31 = tpu.memref_slice %arg11[%dma_start3A_29, %dma_start3A_30] : memref<128x128xf32, #tpu.memory_space<vmem>> -> memref<64x128xf32, #tpu.memory_space<vmem>>
    %dma_start3A_32 = arith.constant 0 : i32
    %dma_start3A_33 = tpu.memref_slice %arg9[%dma_start3A_32] : memref<128xi32, #tpu.memory_space<vmem>> -> memref<64xi32, #tpu.memory_space<vmem>>
    %dma_start3A_34 = arith.constant 0 : i32
    %dma_start3A_35 = arith.constant 0 : i32
    %dma_start3A_36 = tpu.memref_slice %arg5[%dma_start3A_34, %dma_start3A_35] : memref<1000000x128xf32, #tpu.memory_space<hbm>> -> memref<1000000x128xf32, #tpu.memory_space<hbm>>
    tpu.enqueue_indirect_dma source(%dma_start3A_36 : memref<1000000x128xf32, #tpu.memory_space<hbm>>) target(%dma_start3A_31 : memref<64x128xf32, #tpu.memory_space<vmem>>) offsets(%dma_start3A_33 : memref<64xi32, #tpu.memory_space<vmem>>) semaphore(%arg16 : memref<!tpu.dma_semaphore, #tpu.memory_space<semaphore_mem>>)
    %add3A_37 = arith.constant 0 : i32
    %add3A_38 = arith.addi %mul3A_2, %add3A_37 : i32
    %dma_start3A_39 = arith.constant 64 : i32
    %dma_start3A_40 = arith.constant 0 : i32
    %dma_start3A_41 = tpu.memref_slice %arg11[%dma_start3A_39, %dma_start3A_40] : memref<128x128xf32, #tpu.memory_space<vmem>> -> memref<64x128xf32, #tpu.memory_space<vmem>>
    %dma_start3A_42 = arith.constant 64 : i32
    %dma_start3A_43 = tpu.memref_slice %arg9[%dma_start3A_42] : memref<128xi32, #tpu.memory_space<vmem>> -> memref<64xi32, #tpu.memory_space<vmem>>
    %dma_start3A_44 = arith.constant 0 : i32
    %dma_start3A_45 = arith.constant 0 : i32
    %dma_start3A_46 = tpu.memref_slice %arg5[%dma_start3A_44, %dma_start3A_45] : memref<1000000x128xf32, #tpu.memory_space<hbm>> -> memref<1000000x128xf32, #tpu.memory_space<hbm>>
    tpu.enqueue_indirect_dma source(%dma_start3A_46 : memref<1000000x128xf32, #tpu.memory_space<hbm>>) target(%dma_start3A_41 : memref<64x128xf32, #tpu.memory_space<vmem>>) offsets(%dma_start3A_43 : memref<64xi32, #tpu.memory_space<vmem>>) semaphore(%arg17 : memref<!tpu.dma_semaphore, #tpu.memory_space<semaphore_mem>>)
    %add3A_47 = arith.constant 64 : i32
    %add3A_48 = arith.addi %mul3A_2, %add3A_47 : i32
    %dma_wait3A_49 = arith.constant 0 : i32
    %dma_wait3A_50 = arith.constant 0 : i32
    %dma_wait3A_51 = tpu.memref_slice %arg10[%dma_wait3A_49, %dma_wait3A_50] : memref<128x128xf32, #tpu.memory_space<vmem>> -> memref<64x128xf32, #tpu.memory_space<vmem>>
    %dma_wait3A_52 = arith.constant 0 : i32
    %dma_wait3A_53 = tpu.memref_slice %arg8[%dma_wait3A_52] : memref<128xi32, #tpu.memory_space<vmem>> -> memref<64xi32, #tpu.memory_space<vmem>>
    %dma_wait3A_54 = arith.constant 0 : i32
    %dma_wait3A_55 = arith.constant 0 : i32
    %dma_wait3A_56 = tpu.memref_slice %arg4[%dma_wait3A_54, %dma_wait3A_55] : memref<1000000x128xf32, #tpu.memory_space<hbm>> -> memref<1000000x128xf32, #tpu.memory_space<hbm>>
    tpu.wait_indirect_dma semaphore(%arg14 : memref<!tpu.dma_semaphore, #tpu.memory_space<semaphore_mem>>) src(%dma_wait3A_56 : memref<1000000x128xf32, #tpu.memory_space<hbm>>) dst(%dma_wait3A_51 : memref<64x128xf32, #tpu.memory_space<vmem>>)
    %dma_start3A_57 = arith.constant 0 : i32
    %dma_start3A_58 = arith.constant 0 : i32
    %dma_start3A_59 = tpu.memref_slice %arg10[%dma_start3A_57, %dma_start3A_58] : memref<128x128xf32, #tpu.memory_space<vmem>> -> memref<64x128xf32, #tpu.memory_space<vmem>>
    %dma_start3A_60 = arith.constant 0 : i32
    %dma_start3A_61 = tpu.memref_slice %arg6[%add3A_16, %dma_start3A_60] : memref<4096x128xf32, #tpu.memory_space<hbm>> -> memref<64x128xf32, #tpu.memory_space<hbm>>
    %dma_start3A_62 = arith.constant 0 : i32
    %dma_start3A_63 = tpu.memref_slice %arg6[%add3A_16, %dma_start3A_62] : memref<4096x128xf32, #tpu.memory_space<hbm>> -> memref<64x128xf32, #tpu.memory_space<hbm>>
    %dma_start3A_64 = arith.constant 0 : i32
    %dma_start3A_65 = arith.constant 0 : i32
    %dma_start3A_66 = tpu.memref_slice %arg10[%dma_start3A_64, %dma_start3A_65] : memref<128x128xf32, #tpu.memory_space<vmem>> -> memref<64x128xf32, #tpu.memory_space<vmem>>
    tpu.enqueue_dma source(%dma_start3A_66 : memref<64x128xf32, #tpu.memory_space<vmem>>) target(%dma_start3A_63 : memref<64x128xf32, #tpu.memory_space<hbm>>) target_semaphore(%arg14 : memref<!tpu.dma_semaphore, #tpu.memory_space<semaphore_mem>>)
    %dma_wait3A_67 = arith.constant 64 : i32
    %dma_wait3A_68 = arith.constant 0 : i32
    %dma_wait3A_69 = tpu.memref_slice %arg10[%dma_wait3A_67, %dma_wait3A_68] : memref<128x128xf32, #tpu.memory_space<vmem>> -> memref<64x128xf32, #tpu.memory_space<vmem>>
    %dma_wait3A_70 = arith.constant 64 : i32
    %dma_wait3A_71 = tpu.memref_slice %arg8[%dma_wait3A_70] : memref<128xi32, #tpu.memory_space<vmem>> -> memref<64xi32, #tpu.memory_space<vmem>>
    %dma_wait3A_72 = arith.constant 0 : i32
    %dma_wait3A_73 = arith.constant 0 : i32
    %dma_wait3A_74 = tpu.memref_slice %arg4[%dma_wait3A_72, %dma_wait3A_73] : memref<1000000x128xf32, #tpu.memory_space<hbm>> -> memref<1000000x128xf32, #tpu.memory_space<hbm>>
    tpu.wait_indirect_dma semaphore(%arg15 : memref<!tpu.dma_semaphore, #tpu.memory_space<semaphore_mem>>) src(%dma_wait3A_74 : memref<1000000x128xf32, #tpu.memory_space<hbm>>) dst(%dma_wait3A_69 : memref<64x128xf32, #tpu.memory_space<vmem>>)
    %dma_start3A_75 = arith.constant 64 : i32
    %dma_start3A_76 = arith.constant 0 : i32
    %dma_start3A_77 = tpu.memref_slice %arg10[%dma_start3A_75, %dma_start3A_76] : memref<128x128xf32, #tpu.memory_space<vmem>> -> memref<64x128xf32, #tpu.memory_space<vmem>>
    %dma_start3A_78 = arith.constant 0 : i32
    %dma_start3A_79 = tpu.memref_slice %arg6[%add3A_26, %dma_start3A_78] : memref<4096x128xf32, #tpu.memory_space<hbm>> -> memref<64x128xf32, #tpu.memory_space<hbm>>
    %dma_start3A_80 = arith.constant 0 : i32
    %dma_start3A_81 = tpu.memref_slice %arg6[%add3A_26, %dma_start3A_80] : memref<4096x128xf32, #tpu.memory_space<hbm>> -> memref<64x128xf32, #tpu.memory_space<hbm>>
    %dma_start3A_82 = arith.constant 64 : i32
    %dma_start3A_83 = arith.constant 0 : i32
    %dma_start3A_84 = tpu.memref_slice %arg10[%dma_start3A_82, %dma_start3A_83] : memref<128x128xf32, #tpu.memory_space<vmem>> -> memref<64x128xf32, #tpu.memory_space<vmem>>
    tpu.enqueue_dma source(%dma_start3A_84 : memref<64x128xf32, #tpu.memory_space<vmem>>) target(%dma_start3A_81 : memref<64x128xf32, #tpu.memory_space<hbm>>) target_semaphore(%arg15 : memref<!tpu.dma_semaphore, #tpu.memory_space<semaphore_mem>>)
    %dma_wait3A_85 = arith.constant 0 : i32
    %dma_wait3A_86 = arith.constant 0 : i32
    %dma_wait3A_87 = tpu.memref_slice %arg11[%dma_wait3A_85, %dma_wait3A_86] : memref<128x128xf32, #tpu.memory_space<vmem>> -> memref<64x128xf32, #tpu.memory_space<vmem>>
    %dma_wait3A_88 = arith.constant 0 : i32
    %dma_wait3A_89 = tpu.memref_slice %arg9[%dma_wait3A_88] : memref<128xi32, #tpu.memory_space<vmem>> -> memref<64xi32, #tpu.memory_space<vmem>>
    %dma_wait3A_90 = arith.constant 0 : i32
    %dma_wait3A_91 = arith.constant 0 : i32
    %dma_wait3A_92 = tpu.memref_slice %arg5[%dma_wait3A_90, %dma_wait3A_91] : memref<1000000x128xf32, #tpu.memory_space<hbm>> -> memref<1000000x128xf32, #tpu.memory_space<hbm>>
    tpu.wait_indirect_dma semaphore(%arg16 : memref<!tpu.dma_semaphore, #tpu.memory_space<semaphore_mem>>) src(%dma_wait3A_92 : memref<1000000x128xf32, #tpu.memory_space<hbm>>) dst(%dma_wait3A_87 : memref<64x128xf32, #tpu.memory_space<vmem>>)
    %dma_start3A_93 = arith.constant 0 : i32
    %dma_start3A_94 = arith.constant 0 : i32
    %dma_start3A_95 = tpu.memref_slice %arg11[%dma_start3A_93, %dma_start3A_94] : memref<128x128xf32, #tpu.memory_space<vmem>> -> memref<64x128xf32, #tpu.memory_space<vmem>>
    %dma_start3A_96 = arith.constant 0 : i32
    %dma_start3A_97 = tpu.memref_slice %arg7[%add3A_38, %dma_start3A_96] : memref<4096x128xf32, #tpu.memory_space<hbm>> -> memref<64x128xf32, #tpu.memory_space<hbm>>
    %dma_start3A_98 = arith.constant 0 : i32
    %dma_start3A_99 = tpu.memref_slice %arg7[%add3A_38, %dma_start3A_98] : memref<4096x128xf32, #tpu.memory_space<hbm>> -> memref<64x128xf32, #tpu.memory_space<hbm>>
    %dma_start3A_100 = arith.constant 0 : i32
    %dma_start3A_101 = arith.constant 0 : i32
    %dma_start3A_102 = tpu.memref_slice %arg11[%dma_start3A_100, %dma_start3A_101] : memref<128x128xf32, #tpu.memory_space<vmem>> -> memref<64x128xf32, #tpu.memory_space<vmem>>
    tpu.enqueue_dma source(%dma_start3A_102 : memref<64x128xf32, #tpu.memory_space<vmem>>) target(%dma_start3A_99 : memref<64x128xf32, #tpu.memory_space<hbm>>) target_semaphore(%arg16 : memref<!tpu.dma_semaphore, #tpu.memory_space<semaphore_mem>>)
    %dma_wait3A_103 = arith.constant 64 : i32
    %dma_wait3A_104 = arith.constant 0 : i32
    %dma_wait3A_105 = tpu.memref_slice %arg11[%dma_wait3A_103, %dma_wait3A_104] : memref<128x128xf32, #tpu.memory_space<vmem>> -> memref<64x128xf32, #tpu.memory_space<vmem>>
    %dma_wait3A_106 = arith.constant 64 : i32
    %dma_wait3A_107 = tpu.memref_slice %arg9[%dma_wait3A_106] : memref<128xi32, #tpu.memory_space<vmem>> -> memref<64xi32, #tpu.memory_space<vmem>>
    %dma_wait3A_108 = arith.constant 0 : i32
    %dma_wait3A_109 = arith.constant 0 : i32
    %dma_wait3A_110 = tpu.memref_slice %arg5[%dma_wait3A_108, %dma_wait3A_109] : memref<1000000x128xf32, #tpu.memory_space<hbm>> -> memref<1000000x128xf32, #tpu.memory_space<hbm>>
    tpu.wait_indirect_dma semaphore(%arg17 : memref<!tpu.dma_semaphore, #tpu.memory_space<semaphore_mem>>) src(%dma_wait3A_110 : memref<1000000x128xf32, #tpu.memory_space<hbm>>) dst(%dma_wait3A_105 : memref<64x128xf32, #tpu.memory_space<vmem>>)
    %dma_start3A_111 = arith.constant 64 : i32
    %dma_start3A_112 = arith.constant 0 : i32
    %dma_start3A_113 = tpu.memref_slice %arg11[%dma_start3A_111, %dma_start3A_112] : memref<128x128xf32, #tpu.memory_space<vmem>> -> memref<64x128xf32, #tpu.memory_space<vmem>>
    %dma_start3A_114 = arith.constant 0 : i32
    %dma_start3A_115 = tpu.memref_slice %arg7[%add3A_48, %dma_start3A_114] : memref<4096x128xf32, #tpu.memory_space<hbm>> -> memref<64x128xf32, #tpu.memory_space<hbm>>
    %dma_start3A_116 = arith.constant 0 : i32
    %dma_start3A_117 = tpu.memref_slice %arg7[%add3A_48, %dma_start3A_116] : memref<4096x128xf32, #tpu.memory_space<hbm>> -> memref<64x128xf32, #tpu.memory_space<hbm>>
    %dma_start3A_118 = arith.constant 64 : i32
    %dma_start3A_119 = arith.constant 0 : i32
    %dma_start3A_120 = tpu.memref_slice %arg11[%dma_start3A_118, %dma_start3A_119] : memref<128x128xf32, #tpu.memory_space<vmem>> -> memref<64x128xf32, #tpu.memory_space<vmem>>
    tpu.enqueue_dma source(%dma_start3A_120 : memref<64x128xf32, #tpu.memory_space<vmem>>) target(%dma_start3A_117 : memref<64x128xf32, #tpu.memory_space<hbm>>) target_semaphore(%arg17 : memref<!tpu.dma_semaphore, #tpu.memory_space<semaphore_mem>>)
    %dma_wait3A_121 = arith.constant 0 : i32
    %dma_wait3A_122 = arith.constant 0 : i32
    %dma_wait3A_123 = tpu.memref_slice %arg10[%dma_wait3A_121, %dma_wait3A_122] : memref<128x128xf32, #tpu.memory_space<vmem>> -> memref<64x128xf32, #tpu.memory_space<vmem>>
    %dma_wait3A_124 = arith.constant 0 : i32
    %dma_wait3A_125 = tpu.memref_slice %arg6[%add3A_16, %dma_wait3A_124] : memref<4096x128xf32, #tpu.memory_space<hbm>> -> memref<64x128xf32, #tpu.memory_space<hbm>>
    %dma_wait3A_126 = arith.constant 0 : i32
    %dma_wait3A_127 = tpu.memref_slice %arg6[%add3A_16, %dma_wait3A_126] : memref<4096x128xf32, #tpu.memory_space<hbm>> -> memref<64x128xf32, #tpu.memory_space<hbm>>
    %dma_wait3A_128 = arith.constant 0 : i32
    %dma_wait3A_129 = arith.constant 0 : i32
    %dma_wait3A_130 = tpu.memref_slice %arg10[%dma_wait3A_128, %dma_wait3A_129] : memref<128x128xf32, #tpu.memory_space<vmem>> -> memref<64x128xf32, #tpu.memory_space<vmem>>
    tpu.wait_dma2 semaphore(%arg14 : memref<!tpu.dma_semaphore, #tpu.memory_space<semaphore_mem>>) src(%dma_wait3A_130 : memref<64x128xf32, #tpu.memory_space<vmem>>) dst(%dma_wait3A_127 : memref<64x128xf32, #tpu.memory_space<hbm>>)
    %dma_wait3A_131 = arith.constant 64 : i32
    %dma_wait3A_132 = arith.constant 0 : i32
    %dma_wait3A_133 = tpu.memref_slice %arg10[%dma_wait3A_131, %dma_wait3A_132] : memref<128x128xf32, #tpu.memory_space<vmem>> -> memref<64x128xf32, #tpu.memory_space<vmem>>
    %dma_wait3A_134 = arith.constant 0 : i32
    %dma_wait3A_135 = tpu.memref_slice %arg6[%add3A_26, %dma_wait3A_134] : memref<4096x128xf32, #tpu.memory_space<hbm>> -> memref<64x128xf32, #tpu.memory_space<hbm>>
    %dma_wait3A_136 = arith.constant 0 : i32
    %dma_wait3A_137 = tpu.memref_slice %arg6[%add3A_26, %dma_wait3A_136] : memref<4096x128xf32, #tpu.memory_space<hbm>> -> memref<64x128xf32, #tpu.memory_space<hbm>>
    %dma_wait3A_138 = arith.constant 64 : i32
    %dma_wait3A_139 = arith.constant 0 : i32
    %dma_wait3A_140 = tpu.memref_slice %arg10[%dma_wait3A_138, %dma_wait3A_139] : memref<128x128xf32, #tpu.memory_space<vmem>> -> memref<64x128xf32, #tpu.memory_space<vmem>>
    tpu.wait_dma2 semaphore(%arg15 : memref<!tpu.dma_semaphore, #tpu.memory_space<semaphore_mem>>) src(%dma_wait3A_140 : memref<64x128xf32, #tpu.memory_space<vmem>>) dst(%dma_wait3A_137 : memref<64x128xf32, #tpu.memory_space<hbm>>)
    %dma_wait3A_141 = arith.constant 0 : i32
    %dma_wait3A_142 = arith.constant 0 : i32
    %dma_wait3A_143 = tpu.memref_slice %arg11[%dma_wait3A_141, %dma_wait3A_142] : memref<128x128xf32, #tpu.memory_space<vmem>> -> memref<64x128xf32, #tpu.memory_space<vmem>>
    %dma_wait3A_144 = arith.constant 0 : i32
    %dma_wait3A_145 = tpu.memref_slice %arg7[%add3A_38, %dma_wait3A_144] : memref<4096x128xf32, #tpu.memory_space<hbm>> -> memref<64x128xf32, #tpu.memory_space<hbm>>
    %dma_wait3A_146 = arith.constant 0 : i32
    %dma_wait3A_147 = tpu.memref_slice %arg7[%add3A_38, %dma_wait3A_146] : memref<4096x128xf32, #tpu.memory_space<hbm>> -> memref<64x128xf32, #tpu.memory_space<hbm>>
    %dma_wait3A_148 = arith.constant 0 : i32
    %dma_wait3A_149 = arith.constant 0 : i32
    %dma_wait3A_150 = tpu.memref_slice %arg11[%dma_wait3A_148, %dma_wait3A_149] : memref<128x128xf32, #tpu.memory_space<vmem>> -> memref<64x128xf32, #tpu.memory_space<vmem>>
    tpu.wait_dma2 semaphore(%arg16 : memref<!tpu.dma_semaphore, #tpu.memory_space<semaphore_mem>>) src(%dma_wait3A_150 : memref<64x128xf32, #tpu.memory_space<vmem>>) dst(%dma_wait3A_147 : memref<64x128xf32, #tpu.memory_space<hbm>>)
    %dma_wait3A_151 = arith.constant 64 : i32
    %dma_wait3A_152 = arith.constant 0 : i32
    %dma_wait3A_153 = tpu.memref_slice %arg11[%dma_wait3A_151, %dma_wait3A_152] : memref<128x128xf32, #tpu.memory_space<vmem>> -> memref<64x128xf32, #tpu.memory_space<vmem>>
    %dma_wait3A_154 = arith.constant 0 : i32
    %dma_wait3A_155 = tpu.memref_slice %arg7[%add3A_48, %dma_wait3A_154] : memref<4096x128xf32, #tpu.memory_space<hbm>> -> memref<64x128xf32, #tpu.memory_space<hbm>>
    %dma_wait3A_156 = arith.constant 0 : i32
    %dma_wait3A_157 = tpu.memref_slice %arg7[%add3A_48, %dma_wait3A_156] : memref<4096x128xf32, #tpu.memory_space<hbm>> -> memref<64x128xf32, #tpu.memory_space<hbm>>
    %dma_wait3A_158 = arith.constant 64 : i32
    %dma_wait3A_159 = arith.constant 0 : i32
    %dma_wait3A_160 = tpu.memref_slice %arg11[%dma_wait3A_158, %dma_wait3A_159] : memref<128x128xf32, #tpu.memory_space<vmem>> -> memref<64x128xf32, #tpu.memory_space<vmem>>
    tpu.wait_dma2 semaphore(%arg17 : memref<!tpu.dma_semaphore, #tpu.memory_space<semaphore_mem>>) src(%dma_wait3A_160 : memref<64x128xf32, #tpu.memory_space<vmem>>) dst(%dma_wait3A_157 : memref<64x128xf32, #tpu.memory_space<hbm>>)
    return
  }
}

module attributes {stable_mosaic.version = 14 : i64} {
  func.func @_mm_body(%arg0: i32, %arg1: memref<512x128xf32, #tpu.memory_space<vmem>>, %arg2: memref<4096x128xf32, #tpu.memory_space<vmem>>, %arg3: memref<512x4096xf32, #tpu.memory_space<vmem>>) attributes {dimension_semantics = [#tpu.dimension_semantics<arbitrary>], iteration_bounds = array<i64: 8>, scalar_prefetch = 0 : i64, scratch_operands = 0 : i64, tpu.core_type = #tpu.core_type<tc>, window_params = [{transform_indices = @transform_0, window_bounds = array<i64: 512, 128>}, {pipeline_mode = #tpu.pipeline_mode<synchronous>, transform_indices = @transform_1, window_bounds = array<i64: 4096, 128>}, {transform_indices = @transform_2, window_bounds = array<i64: 512, 4096>}]} {
    %get3A = arith.constant 0 : index
    %get3A_0 = arith.constant 0 : index
    %get3A_1 = vector.load %arg1[%get3A, %get3A_0] : memref<512x128xf32, #tpu.memory_space<vmem>>, vector<512x128xf32>
    %convert_element_type3A = arith.truncf %get3A_1 : vector<512x128xf32> to vector<512x128xbf16>
    %get3A_2 = arith.constant 0 : index
    %get3A_3 = arith.constant 0 : index
    %get3A_4 = vector.load %arg2[%get3A_2, %get3A_3] : memref<4096x128xf32, #tpu.memory_space<vmem>>, vector<4096x128xf32>
    %convert_element_type3A_5 = arith.truncf %get3A_4 : vector<4096x128xf32> to vector<4096x128xbf16>
    %dot_general3A = arith.constant dense<0.000000e+00> : vector<512x4096xf32>
    %dot_general3A_6 = tpu.matmul %convert_element_type3A, %convert_element_type3A_5, %dot_general3A {dimension_numbers = #tpu.dot_dimension_numbers<[1], [1], [0], [0], [0, 0, 1, 0], [], []>, transpose_lhs_hint = false} : vector<512x128xbf16>, vector<4096x128xbf16>, vector<512x4096xf32> -> vector<512x4096xf32>
    %swap3A = arith.constant 0 : index
    %swap3A_7 = arith.constant 0 : index
    %swap3A_8 = vector.load %arg3[%swap3A, %swap3A_7] : memref<512x4096xf32, #tpu.memory_space<vmem>>, vector<512x4096xf32>
    tpu.vector_store %arg3[%swap3A, %swap3A_7], %dot_general3A_6 {strides = array<i32>} : memref<512x4096xf32, #tpu.memory_space<vmem>>, vector<512x4096xf32>,
    return
  }
  func.func @transform_0(%arg0: i32) -> (i32, i32) {
    %c0_i32 = arith.constant 0 : i32
    %c0_i32_0 = arith.constant 0 : i32
    return %arg0, %c0_i32 : i32, i32
  }
  func.func @transform_1(%arg0: i32) -> (i32, i32) {
    %c0_i32 = arith.constant 0 : i32
    %c0_i32_0 = arith.constant 0 : i32
    %c0_i32_1 = arith.constant 0 : i32
    return %c0_i32, %c0_i32_0 : i32, i32
  }
  func.func @transform_2(%arg0: i32) -> (i32, i32) {
    %c0_i32 = arith.constant 0 : i32
    %c0_i32_0 = arith.constant 0 : i32
    return %arg0, %c0_i32 : i32, i32
  }
}

</mosaic_0001>

<sc_bundles>
// kernel: kernel.4.cloned.1.call-start
scs
__scs_entry_jumppad:
0x0: {  	(pc) =	sbr.rel $0x88, $3  }
0x1: {  	(tag) =	ssettag $0x0;
	lr =	simm.s32 $0x1  }
0x2: {  	[smem:$0x3F9D] =	sst lr;
	_ =	strace $0xD0000000  }
0x3: {  	_ = 	snop  }
0x4: {  	_ = 	snop  }
0x5: {  	_ = 	snop  }
0x6: {  	_ = 	snop  }
0x7: {  	_ = 	snop  }
__scs_overlays_trampoline_lowered:
0x8: {  	[smem:$0x3FAC] =	sst s0  }
0x9: {  	[smem:$0x3FAD] =	sst s1  }
0xa: {  	[smem:$0x3FAE] =	sst s2  }
0xb: {  	[smem:$0x3FAF] =	sst s3  }
0xc: {  	[smem:$0x3FB0] =	sst s4  }
0xd: {  	[smem:$0x3FB1] =	sst s5  }
0xe: {  	[smem:$0x3FB2] =	sst s6  }
0xf: {  	[smem:$0x3FB3] =	sst s7  }
0x10: {  	[smem:$0x3FB4] =	sst s8  }
0x11: {  	[smem:$0x3FB5] =	sst s9;
	s0 =	simm.s32 @!p0 $0x0  }
0x12: {  	s1 =	sld [smem:$0x3F9B];
	s0 =	simm.s32 @p0 $0x1  }
0x13: {  	[smem:$0x3FB6] =	sst s0;
	s0 =	simm.s32 @!p1 $0x0  }
0x14: {  	s2 =	sld [smem:$0x3F9A];
	s0 =	simm.s32 @p1 $0x1  }
0x15: {  	[smem:$0x3FB7] =	sst s0;
	s0 =	simm.s32 @!p2 $0x0  }
0x16: {  	s3 =	sld [smem:$0x3FDB];
	s0 =	simm.s32 @p2 $0x1  }
0x17: {  	s4 =	simm.s32 $0x1BF5;
	[smem:$0x3FB9] =	sst s0  }
0x18: {  	s0 =	sld [smem:$0x3F9C];
	_ =	swait.ge [sflag:s4], $0x0  }
0x19: {  	s7 =	sld [smem:$0x3F9D]  }
0x1a: {  	s8 =	sadd.s32 $0xFFFFE003, lr  }
0x1b: {  	s9 =	sadd.s32 $0xFFFFFEF7, lr;
	s5 =	simm.s32 $0xFFFFFFFF;
	p2 =	slt.u32 s8, $0xFFFFF086  }
0x1c: {  	p1 =	slt.u32 s9, $0xF7A;
	s5 =	simm.s32 @!p2 $0x0  }
0x1d: {  	s5 =	simm.s32 @p1 $0x1;
	p0 =	seq.s32 s7, s2  }
0x1e: {  	s7 =	smul.u32 @!p0 $0xF7A, s2;
	p2 =	seq.s32 @!p0 s5, $0x0  }
0x1f: {  	s9 =	smul.u32 $0xF7A, s1;
	s8 =	simm.s32 @!p0 $0x1BF5;
	p2 =	por !p2, p0  }
0x20: {  	[sflag:s8] =	ssyncset.s32 @!p0 $0xFFFFF086;
	s6 =	sadd.s32 @!p0 s3, s7;
	s7 =	simm.s32 @!p0 $0x108  }
0x21: {  	s3 =	sadd.s32 s3, s9;
	s6 =	sadd.s32 @!p0 $0x88, s6;
	s7 =	simm.s32 @p2 $0x1082  }
0x22: {  	[simem:s7], [sflag:s8] =	dma.local @!p0 [hbm:s6], $0xF7A  }
0x23: {  	s9 =	sor.u32 $0xD0000000, s2;
	s6 =	simm.s32 $0x108;
	_ =	swait.ge @!p0 [sflag:s8], $0x0  }
0x24: {  	s3 =	sadd.s32 $0x88, s3;
	s6 =	simm.s32 @!p1 $0x1082;
	[sflag:s4] =	ssyncset.s32 $0xFFFFF086  }
0x25: {  	[simem:s6], [sflag:s4] =	dma.local [hbm:s3], $0xF7A  }
0x26: {  	[smem:$0x3F9D] =	sst s1;
	(tag) =	ssettag s2;
	_ =	strace s9  }
0x27: {  	s1 =	sld [smem:$0x3FAD]  }
0x28: {  	s2 =	sld [smem:$0x3FAE]  }
0x29: {  	s4 =	sld [smem:$0x3FB0]  }
0x2a: {  	p0 =	seq.s32 s5, $0x0;
	s5 =	sld [smem:$0x3FB1]  }
0x2b: {  	s6 =	sld [smem:$0x3FB2]  }
0x2c: {  	s7 =	sld [smem:$0x3FB3]  }
0x2d: {  	s3 =	simm.s32 $0x108;
	s8 =	sld [smem:$0x3FB4]  }
0x2e: {  	s3 =	simm.s32 @!p0 $0x1082;
	s9 =	sld [smem:$0x3FB5]  }
0x2f: {  	lr =	sadd.s32 s0, s3;
	s0 =	sld [smem:$0x3FAC]  }
0x30: {  	s3 =	sld [smem:$0x3FAF]  }
0x31: {  	[smem:$0x3FB8] =	sst s10  }
0x32: {  	s10 =	sld [smem:$0x3FB6];
	_ =	sdelay $0x3  }
0x33: {  	p0 =	seq.s32 s10, $0x1;
	s10 =	sld [smem:$0x3FB8];
	_ =	sdelay $0x3  }
0x34: {  	[smem:$0x3FB8] =	sst s10  }
0x35: {  	s10 =	sld [smem:$0x3FB7];
	_ =	sdelay $0x3  }
0x36: {  	p1 =	seq.s32 s10, $0x1;
	s10 =	sld [smem:$0x3FB8];
	_ =	sdelay $0x3  }
0x37: {  	[smem:$0x3FB8] =	sst s10  }
0x38: {  	s10 =	sld [smem:$0x3FB9]  }
0x39: {  	_ = 	snop;
	(pc) =	sbr.ind lr, $3  }
0x3a: {  	_ = 	snop  }
0x3b: {  	_ = 	snop  }
0x3c: {  	p2 =	seq.s32 s10, $0x1;
	s10 =	sld [smem:$0x3FB8]  }
0x3d: {  	_ =	shalt  }
0x3e: {  	_ =	shalt  }
0x3f: {  	_ =	shalt  }
0x40: {  	_ =	shalt  }
0x41: {  	_ =	shalt  }
0x42: {  	_ =	shalt  }
0x43: {  	_ =	shalt  }
0x44: {  	_ =	shalt  }
0x45: {  	_ =	shalt  }
0x46: {  	_ =	shalt  }
0x47: {  	_ =	shalt  }
0x48: {  	_ =	shalt  }
0x49: {  	_ =	shalt  }
0x4a: {  	_ =	shalt  }
0x4b: {  	_ =	shalt  }
0x4c: {  	_ =	shalt  }
0x4d: {  	_ =	shalt  }
0x4e: {  	_ =	shalt  }
0x4f: {  	_ =	shalt  }
0x50: {  	_ =	shalt  }
0x51: {  	_ =	shalt  }
0x52: {  	_ =	shalt  }
0x53: {  	_ =	shalt  }
0x54: {  	_ =	shalt  }
0x55: {  	_ =	shalt  }
0x56: {  	_ =	shalt  }
0x57: {  	_ =	shalt  }
0x58: {  	_ =	shalt  }
0x59: {  	_ =	shalt  }
0x5a: {  	_ =	shalt  }
0x5b: {  	_ =	shalt  }
0x5c: {  	_ =	shalt  }
0x5d: {  	_ =	shalt  }
0x5e: {  	_ =	shalt  }
0x5f: {  	_ =	shalt  }
0x60: {  	_ =	shalt  }
0x61: {  	_ =	shalt  }
0x62: {  	_ =	shalt  }
0x63: {  	_ =	shalt  }
0x64: {  	_ =	shalt  }
0x65: {  	_ =	shalt  }
0x66: {  	_ =	shalt  }
0x67: {  	_ =	shalt  }
0x68: {  	_ =	shalt  }
0x69: {  	_ =	shalt  }
0x6a: {  	_ =	shalt  }
0x6b: {  	_ =	shalt  }
0x6c: {  	_ =	shalt  }
0x6d: {  	_ =	shalt  }
0x6e: {  	_ =	shalt  }
0x6f: {  	_ =	shalt  }
0x70: {  	_ =	shalt  }
0x71: {  	_ =	shalt  }
0x72: {  	_ =	shalt  }
0x73: {  	_ =	shalt  }
0x74: {  	_ =	shalt  }
0x75: {  	_ =	shalt  }
0x76: {  	_ =	shalt  }
0x77: {  	_ =	shalt  }
0x78: {  	_ =	shalt  }
0x79: {  	_ =	shalt  }
0x7a: {  	_ =	shalt  }
0x7b: {  	_ =	shalt  }
0x7c: {  	_ =	shalt  }
0x7d: {  	_ =	shalt  }
0x7e: {  	_ =	shalt  }
0x7f: {  	_ =	shalt  }
0x80: {  	_ =	shalt  }
0x81: {  	_ =	shalt  }
0x82: {  	_ =	shalt  }
0x83: {  	_ =	shalt  }
0x84: {  	_ =	shalt  }
0x85: {  	_ =	shalt  }
0x86: {  	_ =	shalt  }
0x87: {  	_ =	shalt  }
.Lfunc_end0:
.L_simem_size_0:
called_computation_lowered:
.L_overlay_start_0:
0x88: {  	s2 =	sld [smem:$0x3FD9]  }
0x89: {  	s3 =	sld [smem:$0x3FFE];
	_ =	sdelay $0x1  }
0x8a: {  	s1 =	srdreg.scid  }
0x8b: {  	s0 =	sand.u32 $0x1, s1  }
0x8c: {  	s17 =	sshll.u32 s0, $0xA;
	s2 =	sadd.s32 s3, s2  }
0x8d: {  	s2 =	sadd.s32 s2, s17  }
0x8e: {  	[smem:$0x3FC4] =	sst s2  }
0x8f: {  	_ = 	snop  }
0x90: {  	s2 =	sld [smem:$0x3FC9]  }
0x91: {  	s18 =	sld [smem:$0x3FC8]  }
0x92: {  	s4 =	sld [smem:$0x3FC7]  }
0x93: {  	s5 =	sld [smem:$0x3FC6]  }
0x94: {  	s6 =	sld [smem:$0x3FD0];
	(tm) =	ssettm $0x1  }
0x95: {  	s7 =	sld [smem:$0x3FFB];
	_ =	sdelay $0x3  }
0x96: {  	_ =	strace s7  }
0x97: {  	s7 =	sld [smem:$0x3FFC];
	_ =	sdelay $0x3  }
0x98: {  	_ =	strace s7  }
0x99: {  	s7 =	sld [smem:$0x3FFD];
	_ =	sdelay $0x3  }
0x9a: {  	_ =	strace s7  }
0x9b: {  	_ =	strace $0x8FFFFFFF  }
0x9c: {  	s19 =	sld [smem:$0x3FDB];
	_ =	sdelay $0x1  }
0x9d: {  	s8 =	simm.s32 $_scs_section_size  }
0x9e: {  	s9 =	simm.s32 $_size__tile_overlayer_lowered;
	s10 =	simm.s32 $_tile_overlayer_lowered  }
0x9f: {  	s22 =	simm.s32 $0x1BFF;
	s21 =	sshll.u32 s10, $0x1;
	s7 =	sadd.s32 s8, s19  }
0xa0: {  	s11 =	simm.s32 $0x0;
	s20 =	sshll.u32 s9, $0x1;
	s9 =	sadd.s32 s21, s7  }
0xa1: {  	[timem:s11], [sflag:s22] =	dma.local [hbm:s9], s20  }
0xa2: {  	_ =	swait.ge [sflag:s22], s20  }
0xa3: {  	s8 =	ssub.s32 $0x0, s20;
	[sflag:s22] =	ssyncset.done $0x0  }
0xa4: {  	[sflag:s22] =	ssyncadd.s32 s8;
	_ =	sdelay $0x1  }
0xa5: {  	s23 =	simm.s32 $0x1B8B  }
0xa6: {  	_ =	swait.ge [sflag:s23], $0x1  }
0xa7: {  	[sflag:s23] =	ssyncset.done $0x0  }
0xa8: {  	s25 =	simm.s32 $0x1B8E;
	s24 =	sld [smem:$0x3FFE];
	[sflag:s23] =	ssyncadd.s32 $0xFFFFFFFF  }
0xa9: {  	s26 =	simm.s32 $execute0_lowered;
	[smem:$0x3FD2] =	sst s25  }
0xaa: {  	s9 =	sshll.u32 s26, $0x1;
	_ =	strace $0x80000046;
	[dreg:$0x1] =	wrdreg $0xFFFFFFFF  }
0xab: {  	s28 =	simm.s32 $_size_execute0_lowered;
	s7 =	sadd.s32 s7, s9;
	[dreg:$0x0] =	wrdreg $0x0  }
0xac: {  	s9 =	sshll.u32 s28, $0x1;
	[dreg:$0x2] =	wrdreg s7  }
0xad: {  	[dreg:$0x3] =	wrdreg s9  }
0xae: {  	[dreg:$0x4] =	wrdreg $0xC0  }
0xaf: {  	_ =	task [dreg:s11], $0x5FFFF  }
0xb0: {  	[dreg:$0x1] =	wrdreg $0xFFFFFFFF  }
0xb1: {  	[dreg:$0x0] =	wrdreg $0x60  }
0xb2: {  	[dreg:$0x2] =	wrdreg s2  }
0xb3: {  	[dreg:$0x3] =	wrdreg s18  }
0xb4: {  	[dreg:$0x4] =	wrdreg s4  }
0xb5: {  	[dreg:$0x5] =	wrdreg s5  }
0xb6: {  	[dreg:$0x6] =	wrdreg s6  }
0xb7: {  	[dreg:$0x7] =	wrdreg s24  }
0xb8: {  	[dreg:$0x8] =	wrdreg $0x9  }
0xb9: {  	_ =	task.clear_ibuf [dreg:s11], $0x9FFFF;
	_ =	strace $0x90000046  }
0xba: {  	s29 =	simm.s32 $0x9;
	_ =	strace $0x80000048  }
0xbb: {  	_ =	swait.ge [sflag:s29], $0x1  }
0xbc: {  	[sflag:s29] =	ssyncadd.s32 $0xFFFFFFFF  }
0xbd: {  	_ =	strace $0x90000048  }
0xbe: {  	_ =	sfence  }
0xbf: {  	s30 =	sld [smem:$0x0];
	_ =	sdelay $0x2  }
0xc0: {  	s31 =	sshll.u32 s1, $0xD;
	s1 =	sshrl.u32 s1, $0x2  }
0xc1: {  	s3 =	sand.u32 $0x4000, s31;
	s1 =	sadd.s32 s1, s30  }
0xc2: {  	s0 =	sor.u32 s3, s0;
	s1 =	sshll.u32 s1, $0x11  }
0xc3: {  	s0 =	sor.u32 s1, s0  }
0xc4: {  	s0 =	sadd.s32 $0x8F2B, s0  }
0xc5: {  	[sflag:s0] =	ssyncadd.remote.s32 $0x1  }
0xc6: {  	_ =	sfence.sel $0xFFFF  }
0xc7: {  	[dreg:$0x0] =	wrdreg $0xFFFFFFFF;
	(pc) =	sbr.abs _section_cstart, $3  }
0xc8: {  	[dreg:$0x1] =	wrdreg $0xFFFFFFFF  }
0xc9: {  	_ =	task.clear_ibuf [dreg:s11], $0x2FFFF;
	_ =	strace $0x9FFFFFFF  }
0xca: {  	(tm) =	ssettm $0x7FFFFFFF  }
0xcb: {  	_ =	shalt  }
tec
execute0_lowered:
.L_overlay_start_1:
0x0: {  	(tag) =	ssettag $0x1  }
0x1: {  	s5 =	rddreg [dreg:$0x0]  }
0x2: {  	s6 =	rddreg [dreg:$0x1]  }
0x3: {  	s1 =	rddreg [dreg:$0x2];
	s3 =	srdreg.scid  }
0x4: {  	s2 =	rddreg [dreg:$0x3];
	s0 =	stileid.u32;
	s24 =	sand.u32 $0x1, s3  }
0x5: {  	s19 =	rddreg [dreg:$0x4];
	s7 =	sshll.u32 s0, $0x8;
	s8 =	sshll.u32 s24, $0x7  }
0x6: {  	s21 =	rddreg [dreg:$0x5];
	s4 =	simm.s32 $0x0;
	s17 =	sor.u32 s8, s7  }
0x7: {  	[smem:$0x7FF] =	sst s4;
	s7 =	sshrl.u32 s17, $0x3  }
0x8: {  	s3 =	rddreg [dreg:$0x6];
	_ =	strace $0x80000047;
	s5 =	sadd.s32 s5, s7  }
0x9: {  	[tilespmem:s4], [sflag:$0x1] =	stream.linear.gather [hbm4b:s5+s4], $0x80, $0x38;
	[tilespmem:$0x8100] =	vst v63  }
0xa: {  	s8 =	simm.s32 $0x1;
	s6 =	sadd.s32 s6, s7;
	s7 =	simm.s32 $0x80  }
0xb: {  	[tilespmem:s7], [sflag:$0x2] =	stream.linear.gather [hbm4b:s6+s4], $0x80, $0x38;
	[tilespmem:$0x8100] =	vst v63  }
0xc: {  	_ =	swait.ge [sflag:s8], $0x80  }
0xd: {  	[sflag:s8] =	ssyncset.done $0x0  }
0xe: {  	s9 =	simm.s32 $0x40;
	s10 =	simm.s32 $0x100;
	[sflag:s8] =	ssyncadd.s32 $0xFFFFFF80  }
0xf: {  	[tilespmem:s10], [sflag:$0x3] =	stream.indirect.gather [hbm4b:s1+s9], $0x80, s4, s9, $0xb8;
	[tilespmem:$0x8100] =	vst v63  }
0x10: {  	s11 =	simm.s32 $0x2100;
	s12 =	simm.s32 $0x2  }
0x11: {  	[tilespmem:s11], [sflag:$0x4] =	stream.indirect.gather [hbm4b:s1+s9], $0x80, s9, s9, $0xb8;
	[tilespmem:$0x8100] =	vst v63  }
0x12: {  	_ =	swait.ge [sflag:s12], $0x80  }
0x13: {  	[sflag:s12] =	ssyncset.done $0x0  }
0x14: {  	s13 =	simm.s32 $0x4100;
	[sflag:s12] =	ssyncadd.s32 $0xFFFFFF80  }
0x15: {  	[tilespmem:s13], [sflag:$0x5] =	stream.indirect.gather [hbm4b:s2+s9], $0x80, s7, s9, $0xb8;
	[tilespmem:$0x8100] =	vst v63  }
0x16: {  	s14 =	simm.s32 $0xC0;
	s15 =	simm.s32 $0x6100;
	s16 =	simm.s32 $0x3  }
0x17: {  	[tilespmem:s15], [sflag:$0x6] =	stream.indirect.gather [hbm4b:s2+s9], $0x80, s14, s9, $0xb8;
	[tilespmem:$0x8100] =	vst v63  }
0x18: {  	_ =	swait.ge [sflag:s16], $0x2000  }
0x19: {  	s22 =	sshll.u32 s17, $0x4;
	[sflag:s16] =	ssyncset.done $0x0  }
0x1a: {  	s18 =	simm.s32 $0x4;
	s17 =	sadd.s32 s19, s22;
	[sflag:s16] =	ssyncadd.s32 $0xFFFFE000  }
0x1b: {  	[hbm4b:s17+s4] =	stream.linear.scatter [tilespmem:s10], [sflag:$0x3], $0x2000, $0x38;
	[tilespmem:$0x8100] =	vst v63  }
0x1c: {  	_ =	swait.ge [sflag:s18], $0x2000  }
0x1d: {  	s23 =	sor.u32 $0x400, s22;
	[sflag:s18] =	ssyncset.done $0x0  }
0x1e: {  	s20 =	simm.s32 $0x5;
	s19 =	sadd.s32 s19, s23;
	[sflag:s18] =	ssyncadd.s32 $0xFFFFE000  }
0x1f: {  	[hbm4b:s19+s4] =	stream.linear.scatter [tilespmem:s11], [sflag:$0x4], $0x2000, $0x38;
	[tilespmem:$0x8100] =	vst v63  }
0x20: {  	_ =	swait.ge [sflag:s20], $0x2000  }
0x21: {  	s25 =	sadd.s32 $0xC00, s21;
	[sflag:s20] =	ssyncset.done $0x0  }
0x22: {  	s21 =	simm.s32 $0x6;
	s22 =	sadd.s32 s25, s22;
	[sflag:s20] =	ssyncadd.s32 $0xFFFFE000  }
0x23: {  	[hbm4b:s22+s4] =	stream.linear.scatter [tilespmem:s13], [sflag:$0x5], $0x2000, $0x38;
	[tilespmem:$0x8100] =	vst v63  }
0x24: {  	_ =	swait.ge [sflag:s21], $0x2000  }
0x25: {  	[sflag:s21] =	ssyncset.done $0x0  }
0x26: {  	s23 =	sadd.s32 s25, s23;
	[sflag:s21] =	ssyncadd.s32 $0xFFFFE000  }
0x27: {  	[hbm4b:s23+s4] =	stream.linear.scatter [tilespmem:s15], [sflag:$0x6], $0x2000, $0x38;
	[tilespmem:$0x8100] =	vst v63  }
0x28: {  	_ =	swait.ge [sflag:s16], $0x2000  }
0x29: {  	s24 =	ssub.s32 $0x2, s24;
	[sflag:s16] =	ssyncset.done $0x0  }
0x2a: {  	s31 =	sshrl.u32 s24, $0x1;
	[sflag:s16] =	ssyncadd.s32 $0xFFFFE000  }
0x2b: {  	s24 =	ssub.s32 s24, s31;
	_ =	swait.ge [sflag:s18], $0x2000  }
0x2c: {  	s24 =	smax.u32 s24, $0x1;
	[sflag:s18] =	ssyncset.done $0x0  }
0x2d: {  	p0 =	sne.s32 s24, $0x1;
	[sflag:s18] =	ssyncadd.s32 $0xFFFFE000  }
.Ltmp0:
0x2e: {  	_ =	swait.ge [sflag:s20], $0x2000;
	(pc) =	sbr.rel @!p0 .LBB2_2-.Ltmp0, $4  }
0x2f: {  	[sflag:s20] =	ssyncset.done $0x0  }
0x30: {  	[sflag:s20] =	ssyncadd.s32 $0xFFFFE000  }
0x31: {  	_ =	swait.ge [sflag:s21], $0x2000  }
0x32: {  	s24 =	sadd.s32 $0xFFFFFFFF, s24;
	[sflag:s21] =	ssyncset.done $0x0  }
.LBB2_1:
0x33: {  	p0 =	sne.s32 s24, $0x1;
	s24 =	sadd.s32 $0xFFFFFFFF, s24;
	[sflag:s21] =	ssyncadd.s32 $0xFFFFE000  }
0x34: {  	[tilespmem:s4], [sflag:$0x1] =	stream.linear.gather [hbm4b:s5+s4], $0x80, $0x38;
	[tilespmem:$0x8100] =	vst v63  }
0x35: {  	_ = 	snop  }
0x36: {  	[tilespmem:s7], [sflag:$0x2] =	stream.linear.gather [hbm4b:s6+s4], $0x80, $0x38;
	[tilespmem:$0x8100] =	vst v63  }
0x37: {  	_ =	swait.ge [sflag:s8], $0x80  }
0x38: {  	[sflag:s8] =	ssyncset.done $0x0  }
0x39: {  	[sflag:s8] =	ssyncadd.s32 $0xFFFFFF80  }
0x3a: {  	[tilespmem:s10], [sflag:$0x3] =	stream.indirect.gather [hbm4b:s1+s9], $0x80, s4, s9, $0xb8;
	[tilespmem:$0x8100] =	vst v63  }
0x3b: {  	_ = 	snop  }
0x3c: {  	[tilespmem:s11], [sflag:$0x4] =	stream.indirect.gather [hbm4b:s1+s9], $0x80, s9, s9, $0xb8;
	[tilespmem:$0x8100] =	vst v63  }
0x3d: {  	_ =	swait.ge [sflag:s12], $0x80  }
0x3e: {  	[sflag:s12] =	ssyncset.done $0x0  }
0x3f: {  	[sflag:s12] =	ssyncadd.s32 $0xFFFFFF80  }
0x40: {  	[tilespmem:s13], [sflag:$0x5] =	stream.indirect.gather [hbm4b:s2+s9], $0x80, s7, s9, $0xb8;
	[tilespmem:$0x8100] =	vst v63  }
0x41: {  	_ = 	snop  }
0x42: {  	[tilespmem:s15], [sflag:$0x6] =	stream.indirect.gather [hbm4b:s2+s9], $0x80, s14, s9, $0xb8;
	[tilespmem:$0x8100] =	vst v63  }
0x43: {  	_ =	swait.ge [sflag:s16], $0x2000  }
0x44: {  	[sflag:s16] =	ssyncset.done $0x0  }
0x45: {  	[sflag:s16] =	ssyncadd.s32 $0xFFFFE000  }
0x46: {  	[hbm4b:s17+s4] =	stream.linear.scatter [tilespmem:s10], [sflag:$0x3], $0x2000, $0x38;
	[tilespmem:$0x8100] =	vst v63  }
0x47: {  	_ =	swait.ge [sflag:s18], $0x2000  }
0x48: {  	[sflag:s18] =	ssyncset.done $0x0  }
0x49: {  	[sflag:s18] =	ssyncadd.s32 $0xFFFFE000  }
0x4a: {  	[hbm4b:s19+s4] =	stream.linear.scatter [tilespmem:s11], [sflag:$0x4], $0x2000, $0x38;
	[tilespmem:$0x8100] =	vst v63  }
0x4b: {  	_ =	swait.ge [sflag:s20], $0x2000  }
0x4c: {  	[sflag:s20] =	ssyncset.done $0x0  }
0x4d: {  	[sflag:s20] =	ssyncadd.s32 $0xFFFFE000  }
0x4e: {  	[hbm4b:s22+s4] =	stream.linear.scatter [tilespmem:s13], [sflag:$0x5], $0x2000, $0x38;
	[tilespmem:$0x8100] =	vst v63  }
0x4f: {  	_ =	swait.ge [sflag:s21], $0x2000  }
0x50: {  	[sflag:s21] =	ssyncset.done $0x0  }
0x51: {  	[sflag:s21] =	ssyncadd.s32 $0xFFFFE000  }
0x52: {  	[hbm4b:s23+s4] =	stream.linear.scatter [tilespmem:s15], [sflag:$0x6], $0x2000, $0x38;
	[tilespmem:$0x8100] =	vst v63  }
0x53: {  	_ =	swait.ge [sflag:s16], $0x2000  }
0x54: {  	[sflag:s16] =	ssyncset.done $0x0  }
0x55: {  	[sflag:s16] =	ssyncadd.s32 $0xFFFFE000  }
0x56: {  	_ =	swait.ge [sflag:s18], $0x2000  }
0x57: {  	[sflag:s18] =	ssyncset.done $0x0  }
0x58: {  	[sflag:s18] =	ssyncadd.s32 $0xFFFFE000  }
.Ltmp1:
0x59: {  	_ =	swait.ge [sflag:s20], $0x2000;
	(pc) =	sbr.rel @p0 .LBB2_1-.Ltmp1, $4  }
0x5a: {  	[sflag:s20] =	ssyncset.done $0x0  }
0x5b: {  	[sflag:s20] =	ssyncadd.s32 $0xFFFFE000  }
0x5c: {  	_ =	swait.ge [sflag:s21], $0x2000  }
0x5d: {  	[sflag:s21] =	ssyncset.done $0x0  }
.LBB2_2:
0x5e: {  	[sflag:s21] =	ssyncadd.s32 $0xFFFFE000  }
0x5f: {  	_ =	sfence.sel $0x180000  }
0x60: {  	[bflag:$0x0] =	sbarrier.arrive $0xFFFF  }
0x61: {  	p0 =	sne.s32 s0, $0x0;
	_ =	strace $0x90000047  }
0x62: {  	s0 =	sadd.s32 @!p0 $0x100000, s3;
	[bflag:$0x2] =	sbarrier.arrive $0xFFFF  }
0x63: {  	[sflag:s0] =	ssyncadd.tile.s32 @!p0 $0x1;
	_ =	shalt  }
.Lfunc_end2:
_tile_overlayer_lowered:
.L_overlay_start_2:
0x64: {  	(tag) =	ssettag $0x2  }
0x65: {  	s0 =	rddreg [dreg:$0x0];
	s2 =	stileid.u32  }
0x66: {  	s1 =	rddreg [dreg:$0x1];
	p0 =	sne.s32 s2, $0x0  }
0x67: {  	s3 =	rddreg [dreg:$0x2];
	[bflag:$0x3] =	sbarrier.arrive $0xFFFF;
	s2 =	simm.s32 @!p0 $0x1C07  }
0x68: {  	[timem:s3], [sflag:s2] =	dma.local @!p0 [hbm:s0], s1  }
0x69: {  	s0 =	simm.s32 @!p0 $0x7  }
0x6a: {  	_ =	swait.ge @!p0 [sflag:s0], s1  }
0x6b: {  	s1 =	ssub.s32 @!p0 $0x0, s1;
	[sflag:s0] =	ssyncset.done @!p0 $0x0  }
0x6c: {  	[sflag:s0] =	ssyncadd.s32 @!p0 s1  }
0x6d: {  	[bflag:$0x3] =	sbarrier.arrive $0xFFFF  }
0x6e: {  	_ =	shalt  }

</sc_bundles>
